<compile_context>
chip_gen: v7x
topology: tpu7x:2x2x1
jax: 0.10.2.dev20260603
libtpu: 0.0.44.dev20260713+nightly
codegen_flags: <defaults>
</compile_context>

<pallas_src>
import functools

import jax
import jax.numpy as jnp
from jax import lax
from jax.experimental import pallas as pl
from jax.experimental.pallas import tpu as pltpu
from jax.experimental.pallas import tpu_sc as plsc

VOCAB = 100000
HIDDEN = 1024
SEQ = 2048

_NC = 2
_NS = 16
_NW = _NC * _NS
_ROWS_PER_TILE = SEQ // _NW


def _sc_gather(table, ids):
    mesh = plsc.VectorSubcoreMesh(core_axis_name="c", subcore_axis_name="s")

    @functools.partial(
        pl.kernel,
        mesh=mesh,
        out_type=jax.ShapeDtypeStruct((SEQ, HIDDEN), jnp.float32),
        scratch_types=[
            pltpu.VMEM((_ROWS_PER_TILE,), jnp.int32),
            pltpu.VMEM((_ROWS_PER_TILE, HIDDEN), jnp.float32),
            pltpu.SemaphoreType.DMA,
        ],
    )
    def k(table_hbm, idx_hbm, out_hbm, idx_v, rows_v, sem):
        wid = lax.axis_index("s") * _NC + lax.axis_index("c")
        base = wid * _ROWS_PER_TILE
        pltpu.sync_copy(idx_hbm.at[pl.ds(base, _ROWS_PER_TILE)], idx_v)
        pltpu.async_copy(table_hbm.at[idx_v], rows_v, sem).wait()
        pltpu.sync_copy(rows_v, out_hbm.at[pl.ds(base, _ROWS_PER_TILE)])

    return k(table, ids)


_BV = 512
_NBLK = (VOCAB + _BV - 1) // _BV


def _proj_body(h_ref, w_ref, b_ref, out_ref):
    acc = lax.dot_general(
        w_ref[...].astype(jnp.bfloat16), h_ref[...],
        (((1,), (1,)), ((), ())),
        preferred_element_type=jnp.float32,
    )
    out_ref[...] = acc + b_ref[...]


def _tc_project(hidden, W_out, bcol):
    return pl.pallas_call(
        _proj_body,
        grid=(_NBLK,),
        compiler_params=pltpu.CompilerParams(
            vmem_limit_bytes=100 * 1024 * 1024,
            allow_input_fusion=[True, False, False],
        ),
        in_specs=[
            pl.BlockSpec((SEQ, HIDDEN), lambda i: (0, 0)),
            pl.BlockSpec((_BV, HIDDEN), lambda i: (i, 0)),
            pl.BlockSpec((_BV, 1), lambda i: (i, 0)),
        ],
        out_specs=pl.BlockSpec((_BV, SEQ), lambda i: (i, 0)),
        out_shape=jax.ShapeDtypeStruct((VOCAB, SEQ), jnp.float32),
    )(hidden, W_out, bcol)


def kernel(input_ids, embedding_table, W_out, b_out):
    ids = input_ids.reshape(SEQ).astype(jnp.int32)
    hidden = _sc_gather(embedding_table, ids)
    logits_t = _tc_project(
        hidden.astype(jnp.bfloat16), W_out, b_out.reshape(VOCAB, 1)
    )
    logits = logits_t.T.reshape(1, SEQ, VOCAB)
    return (logits, hidden.reshape(1, SEQ, HIDDEN))

# --- scband reference (transcript-rebuilt; emitter-appended) ---
"""Pipeline reference for scband-mock-base-model-48421461295486 (READ-ONLY COPY).

The authoritative reference and input builder live on the scoring server;
editing this copy changes nothing except your own understanding.
"""

import jax, jax.numpy as jnp
import numpy as np

VOCAB = 100000
HIDDEN = 1024
BATCH = 1
SEQ = 2048


def setup_inputs(seed: int = 0) -> dict:
    key = jax.random.key(seed)
    k1, k2, k3 = jax.random.split(key, 3)
    input_ids = jax.random.randint(k1, (BATCH, SEQ), 0, VOCAB, dtype=jnp.int64 if jax.config.jax_enable_x64 else jnp.int32)
    embedding_table = jax.random.normal(k2, (VOCAB, HIDDEN), dtype=jnp.float32) * 0.02
    W_out = jax.random.normal(k3, (VOCAB, HIDDEN), dtype=jnp.float32) * 0.02
    b_out = jnp.zeros((VOCAB,), dtype=jnp.float32)
    return {"input_ids": input_ids, "embedding_table": embedding_table, "W_out": W_out, "b_out": b_out}


def reference(input_ids, embedding_table, W_out, b_out):
    # hidden = self.embedding(input_ids)  -> gather rows from embedding table
    hidden = jnp.take(embedding_table, input_ids, axis=0)  # [B, S, H]
    # logits = self.output(hidden)  -> Linear(hidden_size, vocab_size): x @ W^T + b
    logits = jnp.einsum('bsh,vh->bsv', hidden, W_out) + b_out  # [B, S, V]
    # MockOutput(logits=..., last_hidden_state=hidden)
    return (logits, hidden)

if __name__ == "__main__":
    import jax
    _d = setup_inputs()
    print(jax.jit(kernel)(*tuple(_d.values())))

</pallas_src>

<mosaic_0001>
#map = affine_map<(d0, d1) -> (0, 0)>
#map1 = affine_map<(d0, d1) -> (0)>
module attributes {stable_mosaic.version = 14 : i64} {
  func.func @k(%arg0: i32, %arg1: i32, %arg2: memref<100000x1024xf32, #tpu.memory_space<hbm>>, %arg3: memref<2048xi32, #tpu.memory_space<hbm>>, %arg4: memref<2048x1024xf32, #tpu.memory_space<hbm>>, %arg5: memref<64xi32, #tpu.memory_space<vmem>>, %arg6: memref<64x1024xf32, #tpu.memory_space<vmem>>, %arg7: memref<!tpu.dma_semaphore, #tpu.memory_space<semaphore_mem>>) attributes {dimension_semantics = [#tpu.dimension_semantics<core_parallel>, #tpu.dimension_semantics<subcore_parallel>], iteration_bounds = array<i64: 2, 16>, scalar_prefetch = 0 : i64, scratch_operands = 3 : i64, tpu.core_type = #tpu.core_type<sc_vector_subcore>, window_params = [{transform_indices = #map}, {transform_indices = #map1}, {transform_indices = #map}]} {
    %mul3A = arith.constant 2 : i32
    %mul3A_0 = arith.muli %arg1, %mul3A : i32
    %add3A = arith.addi %mul3A_0, %arg0 : i32
    %mul3A_1 = arith.constant 64 : i32
    %mul3A_2 = arith.muli %add3A, %mul3A_1 : i32
    "tpu.region"() ({
      %run_scoped3A = tpu.sem_alloc : memref<!tpu.dma_semaphore, #tpu.memory_space<semaphore_mem>>
      %dma_start3A_7 = tpu.memref_slice %arg3[%mul3A_2] : memref<2048xi32, #tpu.memory_space<hbm>> -> memref<64xi32, #tpu.memory_space<hbm>>
      %dma_start3A_8 = tpu.memref_slice %arg3[%mul3A_2] : memref<2048xi32, #tpu.memory_space<hbm>> -> memref<64xi32, #tpu.memory_space<hbm>>
      tpu.enqueue_dma source(%dma_start3A_8 : memref<64xi32, #tpu.memory_space<hbm>>) target(%arg5 : memref<64xi32, #tpu.memory_space<vmem>>) target_semaphore(%run_scoped3A : memref<!tpu.dma_semaphore, #tpu.memory_space<semaphore_mem>>)
      %dma_wait3A_9 = tpu.memref_slice %arg3[%mul3A_2] : memref<2048xi32, #tpu.memory_space<hbm>> -> memref<64xi32, #tpu.memory_space<hbm>>
      %dma_wait3A_10 = tpu.memref_slice %arg3[%mul3A_2] : memref<2048xi32, #tpu.memory_space<hbm>> -> memref<64xi32, #tpu.memory_space<hbm>>
      tpu.wait_dma2 semaphore(%run_scoped3A : memref<!tpu.dma_semaphore, #tpu.memory_space<semaphore_mem>>) src(%dma_wait3A_10 : memref<64xi32, #tpu.memory_space<hbm>>) dst(%arg5 : memref<64xi32, #tpu.memory_space<vmem>>)
      tpu.yield
    }) : () -> ()
    %dma_start3A = arith.constant 0 : i32
    %dma_start3A_3 = arith.constant 0 : i32
    %dma_start3A_4 = tpu.memref_slice %arg2[%dma_start3A, %dma_start3A_3] : memref<100000x1024xf32, #tpu.memory_space<hbm>> -> memref<100000x1024xf32, #tpu.memory_space<hbm>>
    tpu.enqueue_indirect_dma source(%dma_start3A_4 : memref<100000x1024xf32, #tpu.memory_space<hbm>>) target(%arg6 : memref<64x1024xf32, #tpu.memory_space<vmem>>) offsets(%arg5 : memref<64xi32, #tpu.memory_space<vmem>>) semaphore(%arg7 : memref<!tpu.dma_semaphore, #tpu.memory_space<semaphore_mem>>)
    %dma_wait3A = arith.constant 0 : i32
    %dma_wait3A_5 = arith.constant 0 : i32
    %dma_wait3A_6 = tpu.memref_slice %arg2[%dma_wait3A, %dma_wait3A_5] : memref<100000x1024xf32, #tpu.memory_space<hbm>> -> memref<100000x1024xf32, #tpu.memory_space<hbm>>
    tpu.wait_indirect_dma semaphore(%arg7 : memref<!tpu.dma_semaphore, #tpu.memory_space<semaphore_mem>>) src(%dma_wait3A_6 : memref<100000x1024xf32, #tpu.memory_space<hbm>>) dst(%arg6 : memref<64x1024xf32, #tpu.memory_space<vmem>>)
    "tpu.region"() ({
      %run_scoped3A = tpu.sem_alloc : memref<!tpu.dma_semaphore, #tpu.memory_space<semaphore_mem>>
      %dma_start3A_7 = arith.constant 0 : i32
      %dma_start3A_8 = tpu.memref_slice %arg4[%mul3A_2, %dma_start3A_7] : memref<2048x1024xf32, #tpu.memory_space<hbm>> -> memref<64x1024xf32, #tpu.memory_space<hbm>>
      %dma_start3A_9 = arith.constant 0 : i32
      %dma_start3A_10 = tpu.memref_slice %arg4[%mul3A_2, %dma_start3A_9] : memref<2048x1024xf32, #tpu.memory_space<hbm>> -> memref<64x1024xf32, #tpu.memory_space<hbm>>
      tpu.enqueue_dma source(%arg6 : memref<64x1024xf32, #tpu.memory_space<vmem>>) target(%dma_start3A_10 : memref<64x1024xf32, #tpu.memory_space<hbm>>) target_semaphore(%run_scoped3A : memref<!tpu.dma_semaphore, #tpu.memory_space<semaphore_mem>>)
      %dma_wait3A_11 = arith.constant 0 : i32
      %dma_wait3A_12 = tpu.memref_slice %arg4[%mul3A_2, %dma_wait3A_11] : memref<2048x1024xf32, #tpu.memory_space<hbm>> -> memref<64x1024xf32, #tpu.memory_space<hbm>>
      %dma_wait3A_13 = arith.constant 0 : i32
      %dma_wait3A_14 = tpu.memref_slice %arg4[%mul3A_2, %dma_wait3A_13] : memref<2048x1024xf32, #tpu.memory_space<hbm>> -> memref<64x1024xf32, #tpu.memory_space<hbm>>
      tpu.wait_dma2 semaphore(%run_scoped3A : memref<!tpu.dma_semaphore, #tpu.memory_space<semaphore_mem>>) src(%arg6 : memref<64x1024xf32, #tpu.memory_space<vmem>>) dst(%dma_wait3A_14 : memref<64x1024xf32, #tpu.memory_space<hbm>>)
      tpu.yield
    }) : () -> ()
    return
  }
}

module attributes {stable_mosaic.version = 14 : i64} {
  func.func @_proj_body(%arg0: i32, %arg1: memref<2048x1024xbf16, #tpu.memory_space<vmem>>, %arg2: memref<512x1024xf32, #tpu.memory_space<vmem>>, %arg3: memref<512x1xf32, #tpu.memory_space<vmem>>, %arg4: memref<512x2048xf32, #tpu.memory_space<vmem>>) attributes {dimension_semantics = [#tpu.dimension_semantics<arbitrary>], iteration_bounds = array<i64: 196>, scalar_prefetch = 0 : i64, scratch_operands = 0 : i64, tpu.core_type = #tpu.core_type<tc>, window_params = [{pipeline_mode = #tpu.pipeline_mode<synchronous>, transform_indices = @transform_0, window_bounds = array<i64: 2048, 1024>}, {transform_indices = @transform_1, window_bounds = array<i64: 512, 1024>}, {transform_indices = @transform_2, window_bounds = array<i64: 512, 1>}, {transform_indices = @transform_3, window_bounds = array<i64: 512, 2048>}]} {
    %get3A = arith.constant 0 : index
    %get3A_0 = arith.constant 0 : index
    %get3A_1 = vector.load %arg2[%get3A, %get3A_0] : memref<512x1024xf32, #tpu.memory_space<vmem>>, vector<512x1024xf32>
    %convert_element_type3A = arith.truncf %get3A_1 : vector<512x1024xf32> to vector<512x1024xbf16>
    %get3A_2 = arith.constant 0 : index
    %get3A_3 = arith.constant 0 : index
    %get3A_4 = vector.load %arg1[%get3A_2, %get3A_3] : memref<2048x1024xbf16, #tpu.memory_space<vmem>>, vector<2048x1024xbf16>
    %dot_general3A = arith.constant dense<0.000000e+00> : vector<512x2048xf32>
    %dot_general3A_5 = tpu.matmul %convert_element_type3A, %get3A_4, %dot_general3A {dimension_numbers = #tpu.dot_dimension_numbers<[1], [1], [0], [0], [0, 0, 1, 0], [], []>, transpose_lhs_hint = false} : vector<512x1024xbf16>, vector<2048x1024xbf16>, vector<512x2048xf32> -> vector<512x2048xf32>
    %get3A_6 = arith.constant 0 : index
    %get3A_7 = arith.constant 0 : index
    %get3A_8 = vector.load %arg3[%get3A_6, %get3A_7] : memref<512x1xf32, #tpu.memory_space<vmem>>, vector<512x1xf32>
    %add3A = vector.broadcast %get3A_8 : vector<512x1xf32> to vector<512x2048xf32>
    %add3A_9 = arith.addf %dot_general3A_5, %add3A : vector<512x2048xf32>
    %swap3A = arith.constant 0 : index
    %swap3A_10 = arith.constant 0 : index
    %swap3A_11 = vector.load %arg4[%swap3A, %swap3A_10] : memref<512x2048xf32, #tpu.memory_space<vmem>>, vector<512x2048xf32>
    tpu.vector_store %arg4[%swap3A, %swap3A_10], %add3A_9 {strides = array<i32>} : memref<512x2048xf32, #tpu.memory_space<vmem>>, vector<512x2048xf32>,
    return
  }
  func.func @transform_0(%arg0: i32) -> (i32, i32) {
    %c0_i32 = arith.constant 0 : i32
    %c0_i32_0 = arith.constant 0 : i32
    %c0_i32_1 = arith.constant 0 : i32
    return %c0_i32, %c0_i32_0 : i32, i32
  }
  func.func @transform_1(%arg0: i32) -> (i32, i32) {
    %c0_i32 = arith.constant 0 : i32
    %c0_i32_0 = arith.constant 0 : i32
    return %arg0, %c0_i32 : i32, i32
  }
  func.func @transform_2(%arg0: i32) -> (i32, i32) {
    %c0_i32 = arith.constant 0 : i32
    %c0_i32_0 = arith.constant 0 : i32
    return %arg0, %c0_i32 : i32, i32
  }
  func.func @transform_3(%arg0: i32) -> (i32, i32) {
    %c0_i32 = arith.constant 0 : i32
    %c0_i32_0 = arith.constant 0 : i32
    return %arg0, %c0_i32 : i32, i32
  }
}

</mosaic_0001>

<sc_bundles>
// kernel: kernel.4.cloned.1.call-start
scs
__scs_entry_jumppad:
0x0: {  	(pc) =	sbr.rel $0x88, $3  }
0x1: {  	(tag) =	ssettag $0x0;
	lr =	simm.s32 $0x1  }
0x2: {  	[smem:$0x3F9D] =	sst lr;
	_ =	strace $0xD0000000  }
0x3: {  	_ = 	snop  }
0x4: {  	_ = 	snop  }
0x5: {  	_ = 	snop  }
0x6: {  	_ = 	snop  }
0x7: {  	_ = 	snop  }
__scs_overlays_trampoline_lowered:
0x8: {  	[smem:$0x3FAC] =	sst s0  }
0x9: {  	[smem:$0x3FAD] =	sst s1  }
0xa: {  	[smem:$0x3FAE] =	sst s2  }
0xb: {  	[smem:$0x3FAF] =	sst s3  }
0xc: {  	[smem:$0x3FB0] =	sst s4  }
0xd: {  	[smem:$0x3FB1] =	sst s5  }
0xe: {  	[smem:$0x3FB2] =	sst s6  }
0xf: {  	[smem:$0x3FB3] =	sst s7  }
0x10: {  	[smem:$0x3FB4] =	sst s8  }
0x11: {  	[smem:$0x3FB5] =	sst s9;
	s0 =	simm.s32 @!p0 $0x0  }
0x12: {  	s1 =	sld [smem:$0x3F9B];
	s0 =	simm.s32 @p0 $0x1  }
0x13: {  	[smem:$0x3FB6] =	sst s0;
	s0 =	simm.s32 @!p1 $0x0  }
0x14: {  	s2 =	sld [smem:$0x3F9A];
	s0 =	simm.s32 @p1 $0x1  }
0x15: {  	[smem:$0x3FB7] =	sst s0;
	s0 =	simm.s32 @!p2 $0x0  }
0x16: {  	s3 =	sld [smem:$0x3FDB];
	s0 =	simm.s32 @p2 $0x1  }
0x17: {  	s4 =	simm.s32 $0x1BF5;
	[smem:$0x3FB9] =	sst s0  }
0x18: {  	s0 =	sld [smem:$0x3F9C];
	_ =	swait.ge [sflag:s4], $0x0  }
0x19: {  	s7 =	sld [smem:$0x3F9D]  }
0x1a: {  	s8 =	sadd.s32 $0xFFFFE003, lr  }
0x1b: {  	s9 =	sadd.s32 $0xFFFFFEF7, lr;
	s5 =	simm.s32 $0xFFFFFFFF;
	p2 =	slt.u32 s8, $0xFFFFF086  }
0x1c: {  	p1 =	slt.u32 s9, $0xF7A;
	s5 =	simm.s32 @!p2 $0x0  }
0x1d: {  	s5 =	simm.s32 @p1 $0x1;
	p0 =	seq.s32 s7, s2  }
0x1e: {  	s7 =	smul.u32 @!p0 $0xF7A, s2;
	p2 =	seq.s32 @!p0 s5, $0x0  }
0x1f: {  	s9 =	smul.u32 $0xF7A, s1;
	s8 =	simm.s32 @!p0 $0x1BF5;
	p2 =	por !p2, p0  }
0x20: {  	[sflag:s8] =	ssyncset.s32 @!p0 $0xFFFFF086;
	s6 =	sadd.s32 @!p0 s3, s7;
	s7 =	simm.s32 @!p0 $0x108  }
0x21: {  	s3 =	sadd.s32 s3, s9;
	s6 =	sadd.s32 @!p0 $0x88, s6;
	s7 =	simm.s32 @p2 $0x1082  }
0x22: {  	[simem:s7], [sflag:s8] =	dma.local @!p0 [hbm:s6], $0xF7A  }
0x23: {  	s9 =	sor.u32 $0xD0000000, s2;
	s6 =	simm.s32 $0x108;
	_ =	swait.ge @!p0 [sflag:s8], $0x0  }
0x24: {  	s3 =	sadd.s32 $0x88, s3;
	s6 =	simm.s32 @!p1 $0x1082;
	[sflag:s4] =	ssyncset.s32 $0xFFFFF086  }
0x25: {  	[simem:s6], [sflag:s4] =	dma.local [hbm:s3], $0xF7A  }
0x26: {  	[smem:$0x3F9D] =	sst s1;
	(tag) =	ssettag s2;
	_ =	strace s9  }
0x27: {  	s1 =	sld [smem:$0x3FAD]  }
0x28: {  	s2 =	sld [smem:$0x3FAE]  }
0x29: {  	s4 =	sld [smem:$0x3FB0]  }
0x2a: {  	p0 =	seq.s32 s5, $0x0;
	s5 =	sld [smem:$0x3FB1]  }
0x2b: {  	s6 =	sld [smem:$0x3FB2]  }
0x2c: {  	s7 =	sld [smem:$0x3FB3]  }
0x2d: {  	s3 =	simm.s32 $0x108;
	s8 =	sld [smem:$0x3FB4]  }
0x2e: {  	s3 =	simm.s32 @!p0 $0x1082;
	s9 =	sld [smem:$0x3FB5]  }
0x2f: {  	lr =	sadd.s32 s0, s3;
	s0 =	sld [smem:$0x3FAC]  }
0x30: {  	s3 =	sld [smem:$0x3FAF]  }
0x31: {  	[smem:$0x3FB8] =	sst s10  }
0x32: {  	s10 =	sld [smem:$0x3FB6];
	_ =	sdelay $0x3  }
0x33: {  	p0 =	seq.s32 s10, $0x1;
	s10 =	sld [smem:$0x3FB8];
	_ =	sdelay $0x3  }
0x34: {  	[smem:$0x3FB8] =	sst s10  }
0x35: {  	s10 =	sld [smem:$0x3FB7];
	_ =	sdelay $0x3  }
0x36: {  	p1 =	seq.s32 s10, $0x1;
	s10 =	sld [smem:$0x3FB8];
	_ =	sdelay $0x3  }
0x37: {  	[smem:$0x3FB8] =	sst s10  }
0x38: {  	s10 =	sld [smem:$0x3FB9]  }
0x39: {  	_ = 	snop;
	(pc) =	sbr.ind lr, $3  }
0x3a: {  	_ = 	snop  }
0x3b: {  	_ = 	snop  }
0x3c: {  	p2 =	seq.s32 s10, $0x1;
	s10 =	sld [smem:$0x3FB8]  }
0x3d: {  	_ =	shalt  }
0x3e: {  	_ =	shalt  }
0x3f: {  	_ =	shalt  }
0x40: {  	_ =	shalt  }
0x41: {  	_ =	shalt  }
0x42: {  	_ =	shalt  }
0x43: {  	_ =	shalt  }
0x44: {  	_ =	shalt  }
0x45: {  	_ =	shalt  }
0x46: {  	_ =	shalt  }
0x47: {  	_ =	shalt  }
0x48: {  	_ =	shalt  }
0x49: {  	_ =	shalt  }
0x4a: {  	_ =	shalt  }
0x4b: {  	_ =	shalt  }
0x4c: {  	_ =	shalt  }
0x4d: {  	_ =	shalt  }
0x4e: {  	_ =	shalt  }
0x4f: {  	_ =	shalt  }
0x50: {  	_ =	shalt  }
0x51: {  	_ =	shalt  }
0x52: {  	_ =	shalt  }
0x53: {  	_ =	shalt  }
0x54: {  	_ =	shalt  }
0x55: {  	_ =	shalt  }
0x56: {  	_ =	shalt  }
0x57: {  	_ =	shalt  }
0x58: {  	_ =	shalt  }
0x59: {  	_ =	shalt  }
0x5a: {  	_ =	shalt  }
0x5b: {  	_ =	shalt  }
0x5c: {  	_ =	shalt  }
0x5d: {  	_ =	shalt  }
0x5e: {  	_ =	shalt  }
0x5f: {  	_ =	shalt  }
0x60: {  	_ =	shalt  }
0x61: {  	_ =	shalt  }
0x62: {  	_ =	shalt  }
0x63: {  	_ =	shalt  }
0x64: {  	_ =	shalt  }
0x65: {  	_ =	shalt  }
0x66: {  	_ =	shalt  }
0x67: {  	_ =	shalt  }
0x68: {  	_ =	shalt  }
0x69: {  	_ =	shalt  }
0x6a: {  	_ =	shalt  }
0x6b: {  	_ =	shalt  }
0x6c: {  	_ =	shalt  }
0x6d: {  	_ =	shalt  }
0x6e: {  	_ =	shalt  }
0x6f: {  	_ =	shalt  }
0x70: {  	_ =	shalt  }
0x71: {  	_ =	shalt  }
0x72: {  	_ =	shalt  }
0x73: {  	_ =	shalt  }
0x74: {  	_ =	shalt  }
0x75: {  	_ =	shalt  }
0x76: {  	_ =	shalt  }
0x77: {  	_ =	shalt  }
0x78: {  	_ =	shalt  }
0x79: {  	_ =	shalt  }
0x7a: {  	_ =	shalt  }
0x7b: {  	_ =	shalt  }
0x7c: {  	_ =	shalt  }
0x7d: {  	_ =	shalt  }
0x7e: {  	_ =	shalt  }
0x7f: {  	_ =	shalt  }
0x80: {  	_ =	shalt  }
0x81: {  	_ =	shalt  }
0x82: {  	_ =	shalt  }
0x83: {  	_ =	shalt  }
0x84: {  	_ =	shalt  }
0x85: {  	_ =	shalt  }
0x86: {  	_ =	shalt  }
0x87: {  	_ =	shalt  }
.Lfunc_end0:
.L_simem_size_0:
called_computation_lowered:
.L_overlay_start_0:
0x88: {  	s2 =	sld [smem:$0x3FD9]  }
0x89: {  	s3 =	sld [smem:$0x3FFE];
	_ =	sdelay $0x1  }
0x8a: {  	s1 =	srdreg.scid  }
0x8b: {  	s0 =	sand.u32 $0x1, s1  }
0x8c: {  	s15 =	sshll.u32 s0, $0xA;
	s2 =	sadd.s32 s3, s2  }
0x8d: {  	s2 =	sadd.s32 s2, s15  }
0x8e: {  	[smem:$0x3FC4] =	sst s2  }
0x8f: {  	_ = 	snop  }
0x90: {  	s2 =	sld [smem:$0x3FD0];
	_ =	sdelay $0x1  }
0x91: {  	s16 =	sld [smem:$0x3FC9]  }
0x92: {  	s5 =	simm.s32 $0xA;
	s6 =	simm.s32 $0x10;
	s4 =	sld [smem:$0x3FC8]  }
0x93: {  	[smem:s6], [sflag:s5] =	dma.local [hbm:s2], $0x1  }
0x94: {  	_ =	swait.eq [sflag:s5], $0x1  }
0x95: {  	[sflag:s5] =	ssyncset.done $0x0  }
0x96: {  	[sflag:s5] =	ssyncadd.s32 $0xFFFFFFFF  }
0x97: {  	s17 =	sld [smem:$0x11];
	(tm) =	ssettm $0x1  }
0x98: {  	s18 =	sld [smem:$0x3FFB];
	_ =	sdelay $0x3  }
0x99: {  	_ =	strace s18  }
0x9a: {  	s5 =	sld [smem:$0x3FFC];
	_ =	sdelay $0x3  }
0x9b: {  	_ =	strace s5  }
0x9c: {  	s5 =	sld [smem:$0x3FFD];
	_ =	sdelay $0x3  }
0x9d: {  	_ =	strace s5  }
0x9e: {  	_ =	strace $0x8FFFFFFF  }
0x9f: {  	s19 =	sld [smem:$0x3FDB];
	_ =	sdelay $0x1  }
0xa0: {  	s20 =	simm.s32 $_scs_section_size  }
0xa1: {  	s7 =	simm.s32 $_size__tile_overlayer_lowered;
	s8 =	simm.s32 $_tile_overlayer_lowered  }
0xa2: {  	s23 =	simm.s32 $0x1BFF;
	s22 =	sshll.u32 s8, $0x1;
	s5 =	sadd.s32 s20, s19  }
0xa3: {  	s9 =	simm.s32 $0x0;
	s21 =	sshll.u32 s7, $0x1;
	s7 =	sadd.s32 s22, s5  }
0xa4: {  	[timem:s9], [sflag:s23] =	dma.local [hbm:s7], s21  }
0xa5: {  	_ =	swait.ge [sflag:s23], s21  }
0xa6: {  	s6 =	ssub.s32 $0x0, s21;
	[sflag:s23] =	ssyncset.done $0x0  }
0xa7: {  	[sflag:s23] =	ssyncadd.s32 s6;
	_ =	sdelay $0x1  }
0xa8: {  	s24 =	simm.s32 $0x1B8B  }
0xa9: {  	_ =	swait.ge [sflag:s24], $0x1  }
0xaa: {  	[sflag:s24] =	ssyncset.done $0x0  }
0xab: {  	s25 =	simm.s32 $0x1B8E;
	[sflag:s24] =	ssyncadd.s32 $0xFFFFFFFF  }
0xac: {  	s26 =	simm.s32 $execute0_lowered;
	[smem:$0x3FD2] =	sst s25  }
0xad: {  	s6 =	sshll.u32 s26, $0x1;
	_ =	strace $0x80000046;
	[dreg:$0x1] =	wrdreg $0xFFFFFFFF  }
0xae: {  	s28 =	simm.s32 $_size_execute0_lowered;
	s5 =	sadd.s32 s5, s6;
	[dreg:$0x0] =	wrdreg $0x0  }
0xaf: {  	s6 =	sshll.u32 s28, $0x1;
	[dreg:$0x2] =	wrdreg s5  }
0xb0: {  	[dreg:$0x3] =	wrdreg s6  }
0xb1: {  	[dreg:$0x4] =	wrdreg $0xC0  }
0xb2: {  	_ =	task [dreg:s9], $0x5FFFF  }
0xb3: {  	[dreg:$0x1] =	wrdreg $0xFFFFFFFF  }
0xb4: {  	[dreg:$0x0] =	wrdreg $0x60  }
0xb5: {  	[dreg:$0x2] =	wrdreg s4  }
0xb6: {  	[dreg:$0x3] =	wrdreg s16  }
0xb7: {  	[dreg:$0x4] =	wrdreg s17  }
0xb8: {  	[dreg:$0x5] =	wrdreg $0x9  }
0xb9: {  	_ =	task.clear_ibuf [dreg:s9], $0x6FFFF;
	_ =	strace $0x90000046  }
0xba: {  	s29 =	simm.s32 $0x9;
	_ =	strace $0x80000048  }
0xbb: {  	_ =	swait.ge [sflag:s29], $0x1  }
0xbc: {  	[sflag:s29] =	ssyncadd.s32 $0xFFFFFFFF  }
0xbd: {  	_ =	strace $0x90000048  }
0xbe: {  	_ =	sfence  }
0xbf: {  	s30 =	sld [smem:$0x0];
	_ =	sdelay $0x2  }
0xc0: {  	s31 =	sshll.u32 s1, $0xD;
	s1 =	sshrl.u32 s1, $0x2  }
0xc1: {  	s3 =	sand.u32 $0x4000, s31;
	s1 =	sadd.s32 s1, s30  }
0xc2: {  	s0 =	sor.u32 s3, s0;
	s1 =	sshll.u32 s1, $0x11  }
0xc3: {  	s0 =	sor.u32 s1, s0  }
0xc4: {  	s0 =	sadd.s32 $0x8F2B, s0  }
0xc5: {  	[sflag:s0] =	ssyncadd.remote.s32 $0x1  }
0xc6: {  	_ =	sfence.sel $0xFFFF  }
0xc7: {  	[dreg:$0x0] =	wrdreg $0xFFFFFFFF;
	(pc) =	sbr.abs _section_cstart, $3  }
0xc8: {  	[dreg:$0x1] =	wrdreg $0xFFFFFFFF  }
0xc9: {  	_ =	task.clear_ibuf [dreg:s9], $0x2FFFF;
	_ =	strace $0x9FFFFFFF  }
0xca: {  	(tm) =	ssettm $0x7FFFFFFF  }
0xcb: {  	_ =	shalt  }
tec
execute0_lowered:
.L_overlay_start_1:
0x0: {  	(tag) =	ssettag $0x1  }
0x1: {  	s1 =	rddreg [dreg:$0x0]  }
0x2: {  	s2 =	srdreg.scid;
	s4 =	rddreg [dreg:$0x1]  }
0x3: {  	s0 =	stileid.u32;
	s5 =	rddreg [dreg:$0x2]  }
0x4: {  	s3 =	simm.s32 $0x0;
	s17 =	simm.s32 $0x880;
	s18 =	simm.s32 $0x1080  }
0x5: {  	s19 =	simm.s32 $0x1880;
	s21 =	simm.s32 $0x2080;
	s22 =	simm.s32 $0x2880  }
0x6: {  	s23 =	simm.s32 $0x3080;
	s24 =	simm.s32 $0x3880;
	[smem:$0x7FF] =	sst s3  }
0x7: {  	s8 =	simm.s32 $0x4080;
	_ =	strace $0x80000047;
	[dreg:$0x6] =	wrdreg s17  }
0x8: {  	s25 =	simm.s32 $0x4880;
	s26 =	simm.s32 $0x5080;
	[dreg:$0x7] =	wrdreg s18  }
0x9: {  	s9 =	simm.s32 $0x80;
	s11 =	simm.s32 $0x6080;
	[dreg:$0x8] =	wrdreg s19  }
0xa: {  	s12 =	simm.s32 $0x6880;
	s13 =	simm.s32 $0x7080;
	[dreg:$0x9] =	wrdreg s21  }
0xb: {  	s14 =	simm.s32 $0x7880;
	s15 =	simm.s32 $0x8080;
	[dreg:$0xa] =	wrdreg s22  }
0xc: {  	s28 =	simm.s32 $0xE080;
	s29 =	simm.s32 $0xE880;
	[dreg:$0xb] =	wrdreg s23  }
0xd: {  	s30 =	simm.s32 $0xF080;
	s31 =	simm.s32 $0xF880;
	[dreg:$0xc] =	wrdreg s24  }
0xe: {  	s2 =	sand.u32 $0x1, s2;
	s6 =	sshll.u32 s0, $0x7;
	[dreg:$0xd] =	wrdreg s8  }
0xf: {  	s7 =	sshll.u32 s2, $0x6;
	s2 =	ssub.s32 $0x2, s2;
	[dreg:$0xe] =	wrdreg s25  }
0x10: {  	s8 =	simm.s32 $0x2;
	[dreg:$0xf] =	wrdreg s26;
	s17 =	simm.s32 $0x9080  }
0x11: {  	s18 =	simm.s32 $0x9880;
	s19 =	simm.s32 $0xA080;
	s21 =	simm.s32 $0xB080  }
0x12: {  	s22 =	simm.s32 $0xB880;
	s23 =	simm.s32 $0xC080;
	s24 =	simm.s32 $0xC880  }
0x13: {  	s25 =	simm.s32 $0xD080;
	s26 =	simm.s32 $0xD880;
	s6 =	sor.u32 s7, s6  }
0x14: {  	s20 =	sshrl.u32 s2, $0x1;
	s7 =	sshrl.u32 s6, $0x3;
	s6 =	sshll.u32 s6, $0x7  }
0x15: {  	s2 =	ssub.s32 s2, s20;
	s20 =	simm.s32 $0xA880;
	s4 =	sadd.s32 s4, s7  }
0x16: {  	v2 =	vlaneseq.u32;
	s16 =	sadd.s32 s5, s6;
	s5 =	sadd.s32 $0x200, s1;
	s6 =	sadd.s32 $0x300, s1  }
0x17: {  	vm0 =	vmmov $0xffff;
	v1 =	vshrl.u32 v2, $0x3;
	s7 =	smax.u32 s2, $0x1;
	s2 =	simm.s32 $0x1;
	[dreg:$0x4] =	wrdreg s4  }
0x18: {  	v0 =	vand.u32 $0x7, v2;
	v2 =	vor.u32 $0x8, v2;
	v1 =	vmul.u32 $0x8, v1;
	[dreg:$0x5] =	wrdreg s16;
	s4 =	sadd.s32 $0x100, s1;
	s16 =	simm.s32 $0x8880  }
.LBB2_1:
0x19: {  	s0 =	rddreg [dreg:$0x4]  }
0x1a: {  	[tilespmem:s3], [sflag:$0x2] =	stream.linear.gather [hbm4b:s0+s3], $0x40, $0x38;
	[tilespmem:$0x10080] =	vst v63  }
0x1b: {  	_ =	swait.ge [sflag:s8], $0x40  }
0x1c: {  	[sflag:s8] =	ssyncset.done $0x0  }
0x1d: {  	[sflag:s8] =	ssyncadd.s32 $0xFFFFFFC0  }
0x1e: {  	v3 =	vld [tilespmem:$0x0];
	_ =	sdelay $0x4  }
0x1f: {  	v4 =	vshll.u32 v3, $0x3  }
0x20: {  	v3 =	vand.u32 $0x7, v3;
	v4 =	vand.u32 $0xFFFFFFC0, v4  }
0x21: {  	v3 =	vor.u32 v3, v4  }
0x22: {  	v4 =	vperm.xlane v3, v0;
	_ =	sdelay $0x1  }
0x23: {  	v4 =	vadd.s32 v1, v4;
	_ =	sdelay $0x4  }
0x24: {  	[tilespmem:s9], [sflag:$0x1] =	stream.indirect_vreg.gather [hbm4b:s1+s3], $0x80, v4, vm0, $0xb8;
	[tilespmem:$0x10080] =	vst v63  }
0x25: {  	s0 =	rddreg [dreg:$0x6];
	v3 =	vperm.xlane v3, v2  }
0x26: {  	[tilespmem:s0], [sflag:$0x1] =	stream.indirect_vreg.gather [hbm4b:s4+s3], $0x80, v4, vm0, $0xb8;
	[tilespmem:$0x10080] =	vst v63  }
0x27: {  	s10 =	rddreg [dreg:$0x7];
	v3 =	vadd.s32 v1, v3  }
0x28: {  	[tilespmem:s10], [sflag:$0x1] =	stream.indirect_vreg.gather [hbm4b:s5+s3], $0x80, v4, vm0, $0xb8;
	[tilespmem:$0x10080] =	vst v63  }
0x29: {  	s0 =	rddreg [dreg:$0x8]  }
0x2a: {  	[tilespmem:s0], [sflag:$0x1] =	stream.indirect_vreg.gather [hbm4b:s6+s3], $0x80, v4, vm0, $0xb8;
	[tilespmem:$0x10080] =	vst v63  }
0x2b: {  	s10 =	rddreg [dreg:$0x9]  }
0x2c: {  	[tilespmem:s10], [sflag:$0x1] =	stream.indirect_vreg.gather [hbm4b:s1+s3], $0x80, v3, vm0, $0xb8;
	[tilespmem:$0x10080] =	vst v63  }
0x2d: {  	s0 =	rddreg [dreg:$0xa]  }
0x2e: {  	[tilespmem:s0], [sflag:$0x1] =	stream.indirect_vreg.gather [hbm4b:s4+s3], $0x80, v3, vm0, $0xb8;
	[tilespmem:$0x10080] =	vst v63  }
0x2f: {  	s10 =	rddreg [dreg:$0xb]  }
0x30: {  	[tilespmem:s10], [sflag:$0x1] =	stream.indirect_vreg.gather [hbm4b:s5+s3], $0x80, v3, vm0, $0xb8;
	[tilespmem:$0x10080] =	vst v63  }
0x31: {  	s0 =	rddreg [dreg:$0xc]  }
0x32: {  	[tilespmem:s0], [sflag:$0x1] =	stream.indirect_vreg.gather [hbm4b:s6+s3], $0x80, v3, vm0, $0xb8;
	[tilespmem:$0x10080] =	vst v63  }
0x33: {  	v3 =	vld [tilespmem:$0x10];
	_ =	sdelay $0x4  }
0x34: {  	v61 =	vshll.u32 v3, $0x3  }
0x35: {  	v3 =	vand.u32 $0x7, v3;
	v4 =	vand.u32 $0xFFFFFFC0, v61  }
0x36: {  	v3 =	vor.u32 v3, v4  }
0x37: {  	v4 =	vperm.xlane v3, v0;
	_ =	sdelay $0x1  }
0x38: {  	v4 =	vadd.s32 v1, v4;
	_ =	sdelay $0x3  }
0x39: {  	s0 =	rddreg [dreg:$0xd]  }
0x3a: {  	[tilespmem:s0], [sflag:$0x1] =	stream.indirect_vreg.gather [hbm4b:s1+s3], $0x80, v4, vm0, $0xb8;
	[tilespmem:$0x10080] =	vst v63  }
0x3b: {  	s10 =	rddreg [dreg:$0xe];
	v3 =	vperm.xlane v3, v2  }
0x3c: {  	[tilespmem:s10], [sflag:$0x1] =	stream.indirect_vreg.gather [hbm4b:s4+s3], $0x80, v4, vm0, $0xb8;
	[tilespmem:$0x10080] =	vst v63  }
0x3d: {  	v3 =	vadd.s32 v1, v3;
	s0 =	rddreg [dreg:$0xf]  }
0x3e: {  	[tilespmem:s0], [sflag:$0x1] =	stream.indirect_vreg.gather [hbm4b:s5+s3], $0x80, v4, vm0, $0xb8;
	[tilespmem:$0x10080] =	vst v63  }
0x3f: {  	s10 =	simm.s32 $0x5880  }
0x40: {  	[tilespmem:s10], [sflag:$0x1] =	stream.indirect_vreg.gather [hbm4b:s6+s3], $0x80, v4, vm0, $0xb8;
	[tilespmem:$0x10080] =	vst v63  }
0x41: {  	_ = 	snop  }
0x42: {  	[tilespmem:s11], [sflag:$0x1] =	stream.indirect_vreg.gather [hbm4b:s1+s3], $0x80, v3, vm0, $0xb8;
	[tilespmem:$0x10080] =	vst v63  }
0x43: {  	_ = 	snop  }
0x44: {  	[tilespmem:s12], [sflag:$0x1] =	stream.indirect_vreg.gather [hbm4b:s4+s3], $0x80, v3, vm0, $0xb8;
	[tilespmem:$0x10080] =	vst v63  }
0x45: {  	_ = 	snop  }
0x46: {  	[tilespmem:s13], [sflag:$0x1] =	stream.indirect_vreg.gather [hbm4b:s5+s3], $0x80, v3, vm0, $0xb8;
	[tilespmem:$0x10080] =	vst v63  }
0x47: {  	_ = 	snop  }
0x48: {  	[tilespmem:s14], [sflag:$0x1] =	stream.indirect_vreg.gather [hbm4b:s6+s3], $0x80, v3, vm0, $0xb8;
	[tilespmem:$0x10080] =	vst v63  }
0x49: {  	v3 =	vld [tilespmem:$0x20];
	_ =	sdelay $0x4  }
0x4a: {  	v62 =	vshll.u32 v3, $0x3  }
0x4b: {  	v3 =	vand.u32 $0x7, v3;
	v4 =	vand.u32 $0xFFFFFFC0, v62  }
0x4c: {  	v3 =	vor.u32 v3, v4  }
0x4d: {  	v4 =	vperm.xlane v3, v0;
	_ =	sdelay $0x1  }
0x4e: {  	v4 =	vadd.s32 v1, v4;
	_ =	sdelay $0x4  }
0x4f: {  	[tilespmem:s15], [sflag:$0x1] =	stream.indirect_vreg.gather [hbm4b:s1+s3], $0x80, v4, vm0, $0xb8;
	[tilespmem:$0x10080] =	vst v63  }
0x50: {  	v3 =	vperm.xlane v3, v2  }
0x51: {  	[tilespmem:s16], [sflag:$0x1] =	stream.indirect_vreg.gather [hbm4b:s4+s3], $0x80, v4, vm0, $0xb8;
	[tilespmem:$0x10080] =	vst v63  }
0x52: {  	v3 =	vadd.s32 v1, v3  }
0x53: {  	[tilespmem:s17], [sflag:$0x1] =	stream.indirect_vreg.gather [hbm4b:s5+s3], $0x80, v4, vm0, $0xb8;
	[tilespmem:$0x10080] =	vst v63  }
0x54: {  	_ = 	snop  }
0x55: {  	[tilespmem:s18], [sflag:$0x1] =	stream.indirect_vreg.gather [hbm4b:s6+s3], $0x80, v4, vm0, $0xb8;
	[tilespmem:$0x10080] =	vst v63  }
0x56: {  	_ = 	snop  }
0x57: {  	[tilespmem:s19], [sflag:$0x1] =	stream.indirect_vreg.gather [hbm4b:s1+s3], $0x80, v3, vm0, $0xb8;
	[tilespmem:$0x10080] =	vst v63  }
0x58: {  	_ = 	snop  }
0x59: {  	[tilespmem:s20], [sflag:$0x1] =	stream.indirect_vreg.gather [hbm4b:s4+s3], $0x80, v3, vm0, $0xb8;
	[tilespmem:$0x10080] =	vst v63  }
0x5a: {  	_ = 	snop  }
0x5b: {  	[tilespmem:s21], [sflag:$0x1] =	stream.indirect_vreg.gather [hbm4b:s5+s3], $0x80, v3, vm0, $0xb8;
	[tilespmem:$0x10080] =	vst v63  }
0x5c: {  	_ = 	snop  }
0x5d: {  	[tilespmem:s22], [sflag:$0x1] =	stream.indirect_vreg.gather [hbm4b:s6+s3], $0x80, v3, vm0, $0xb8;
	[tilespmem:$0x10080] =	vst v63  }
0x5e: {  	v3 =	vld [tilespmem:$0x30];
	_ =	sdelay $0x4  }
0x5f: {  	v63 =	vshll.u32 v3, $0x3  }
0x60: {  	v3 =	vand.u32 $0x7, v3;
	v4 =	vand.u32 $0xFFFFFFC0, v63  }
0x61: {  	v3 =	vor.u32 v3, v4  }
0x62: {  	v4 =	vperm.xlane v3, v0;
	_ =	sdelay $0x1  }
0x63: {  	v4 =	vadd.s32 v1, v4;
	_ =	sdelay $0x4  }
0x64: {  	[tilespmem:s23], [sflag:$0x1] =	stream.indirect_vreg.gather [hbm4b:s1+s3], $0x80, v4, vm0, $0xb8;
	[tilespmem:$0x10080] =	vst v63  }
0x65: {  	v3 =	vperm.xlane v3, v2  }
0x66: {  	[tilespmem:s24], [sflag:$0x1] =	stream.indirect_vreg.gather [hbm4b:s4+s3], $0x80, v4, vm0, $0xb8;
	[tilespmem:$0x10080] =	vst v63  }
0x67: {  	v3 =	vadd.s32 v1, v3  }
0x68: {  	[tilespmem:s25], [sflag:$0x1] =	stream.indirect_vreg.gather [hbm4b:s5+s3], $0x80, v4, vm0, $0xb8;
	[tilespmem:$0x10080] =	vst v63  }
0x69: {  	_ = 	snop  }
0x6a: {  	[tilespmem:s26], [sflag:$0x1] =	stream.indirect_vreg.gather [hbm4b:s6+s3], $0x80, v4, vm0, $0xb8;
	[tilespmem:$0x10080] =	vst v63  }
0x6b: {  	_ = 	snop  }
0x6c: {  	[tilespmem:s28], [sflag:$0x1] =	stream.indirect_vreg.gather [hbm4b:s1+s3], $0x80, v3, vm0, $0xb8;
	[tilespmem:$0x10080] =	vst v63  }
0x6d: {  	_ = 	snop  }
0x6e: {  	[tilespmem:s29], [sflag:$0x1] =	stream.indirect_vreg.gather [hbm4b:s4+s3], $0x80, v3, vm0, $0xb8;
	[tilespmem:$0x10080] =	vst v63  }
0x6f: {  	_ = 	snop  }
0x70: {  	[tilespmem:s30], [sflag:$0x1] =	stream.indirect_vreg.gather [hbm4b:s5+s3], $0x80, v3, vm0, $0xb8;
	[tilespmem:$0x10080] =	vst v63  }
0x71: {  	_ = 	snop  }
0x72: {  	[tilespmem:s31], [sflag:$0x1] =	stream.indirect_vreg.gather [hbm4b:s6+s3], $0x80, v3, vm0, $0xb8;
	[tilespmem:$0x10080] =	vst v63  }
0x73: {  	_ =	swait.ge [sflag:s2], $0x10000  }
0x74: {  	p0 =	sne.s32 s7, $0x1;
	[sflag:s2] =	ssyncset.done $0x0  }
.Ltmp0:
0x75: {  	s10 =	rddreg [dreg:$0x5];
	[sflag:s2] =	ssyncadd.s32 $0xFFFF0000;
	(pc) =	sbr.rel @p0 .LBB2_1-.Ltmp0, $4  }
0x76: {  	[hbm4b:s10+s3] =	stream.linear.scatter [tilespmem:s9], [sflag:$0x2], $0x10000, $0x38;
	[tilespmem:$0x10080] =	vst v63  }
0x77: {  	_ =	swait.ge [sflag:s8], $0x10000  }
0x78: {  	[sflag:s8] =	ssyncset.done $0x0  }
0x79: {  	s7 =	sadd.s32 $0xFFFFFFFF, s7;
	[sflag:s8] =	ssyncadd.s32 $0xFFFF0000  }
0x7a: {  	_ =	sfence.sel $0x180000  }
0x7b: {  	[bflag:$0x0] =	sbarrier.arrive $0xFFFF  }
0x7c: {  	_ =	strace $0x90000047  }
0x7d: {  	s0 =	stileid.u32;
	[bflag:$0x2] =	sbarrier.arrive $0xFFFF  }
0x7e: {  	p0 =	sne.s32 s0, $0x0;
	s0 =	rddreg [dreg:$0x3]  }
0x7f: {  	s0 =	sadd.s32 @!p0 $0x100000, s0  }
0x80: {  	[sflag:s0] =	ssyncadd.tile.s32 @!p0 $0x1;
	_ =	shalt  }
.Lfunc_end2:
_tile_overlayer_lowered:
.L_overlay_start_2:
0x81: {  	(tag) =	ssettag $0x2  }
0x82: {  	s0 =	rddreg [dreg:$0x0];
	s2 =	stileid.u32  }
0x83: {  	s1 =	rddreg [dreg:$0x1];
	p0 =	sne.s32 s2, $0x0  }
0x84: {  	s3 =	rddreg [dreg:$0x2];
	[bflag:$0x3] =	sbarrier.arrive $0xFFFF;
	s2 =	simm.s32 @!p0 $0x1C02  }
0x85: {  	[timem:s3], [sflag:s2] =	dma.local @!p0 [hbm:s0], s1  }
0x86: {  	s0 =	simm.s32 @!p0 $0x2  }
0x87: {  	_ =	swait.ge @!p0 [sflag:s0], s1  }
0x88: {  	s1 =	ssub.s32 @!p0 $0x0, s1;
	[sflag:s0] =	ssyncset.done @!p0 $0x0  }
0x89: {  	[sflag:s0] =	ssyncadd.s32 @!p0 s1  }
0x8a: {  	[bflag:$0x3] =	sbarrier.arrive $0xFFFF  }
0x8b: {  	_ =	shalt  }

</sc_bundles>
